<compile_context>
chip_gen: v7x
topology: tpu7x:2x2x1
jax: 0.10.2.dev20260603
libtpu: 0.0.44.dev20260713+nightly
codegen_flags: <defaults>
</compile_context>

<pallas_src>
import functools

import jax
import jax.numpy as jnp
from jax import lax
from jax.experimental import pallas as pl
from jax.experimental.pallas import tpu as pltpu
from jax.experimental.pallas import tpu_sc as plsc

COMMITMENT_COST = 0.25

TM = 1024
TN = 2048
_B1, _B2 = 2816, 5632
_S1, _O1 = divmod(_B1, TN)
_S2, _O2 = divmod(_B2, TN)


def _bf16_round(v):
    return v.astype(jnp.bfloat16).astype(jnp.float32)


def _argmin_body(nt, mt, et_ref, xt_ref, x2_ref, n2_ref, idx_ref, loss_ref,
                 best_val, best_f32, best_idx, acc):
    m = pl.program_id(0)
    n = pl.program_id(1)
    et = et_ref[...]
    xt = xt_ref[0]
    s = jnp.dot(et, xt, preferred_element_type=jnp.float32)
    x2 = x2_ref[0, 0, :]
    n2 = n2_ref[0, 0, :]
    dist = (x2[None, :] - 2.0 * s) + n2[:, None]

    def _local(r0, r1):
        dd = dist[r0:r1]
        lm = jnp.min(dd, axis=0)
        la = jnp.argmin(dd, axis=0).astype(jnp.int32) + (n * TN + r0)
        return lm, la

    def _merge(lm, la, round_after):
        bv = best_val[...]
        bi = best_idx[...]
        take = lm < bv
        nv = jnp.where(take, lm, bv)
        best_val[...] = _bf16_round(nv) if round_after else nv
        best_f32[...] = jnp.where(take, lm, best_f32[...])
        best_idx[...] = jnp.where(take, la, bi)

    @pl.when(n == 0)
    def _():
        lm, la = _local(0, TN)
        best_val[...] = lm
        best_f32[...] = lm
        best_idx[...] = la

    @pl.when((n > 0) & (n != _S1) & (n != _S2))
    def _():
        _merge(*_local(0, TN), False)

    @pl.when(n == _S1)
    def _():
        _merge(*_local(0, _O1), True)
        _merge(*_local(_O1, TN), False)

    @pl.when(n == _S2)
    def _():
        _merge(*_local(0, _O2), True)
        _merge(*_local(_O2, TN), False)

    @pl.when((m == 0) & (n == 0))
    def _():
        acc[0] = 0.0

    @pl.when(n == nt - 1)
    def _():
        idx_ref[0, 0, :] = best_idx[...]
        acc[0] = acc[0] + jnp.sum(best_f32[...])

    @pl.when((m == mt - 1) & (n == nt - 1))
    def _():
        loss_ref[0] = acc[0]


def _argmin_call(et, xt, x2, n2):
    num_codes, d = et.shape
    batches = xt.shape[0]
    tokens = batches * xt.shape[2]
    mt = tokens // TM
    nt = num_codes // TN
    return pl.pallas_call(
        functools.partial(_argmin_body, nt, mt),
        grid=(mt, nt),
        in_specs=[
            pl.BlockSpec((TN, d), lambda m, n: (n, 0)),
            pl.BlockSpec((1, d, TM), lambda m, n: (m, 0, 0)),
            pl.BlockSpec((1, 1, TM), lambda m, n: (m, 0, 0)),
            pl.BlockSpec((1, 1, TN), lambda m, n: (n, 0, 0)),
        ],
        out_specs=[
            pl.BlockSpec((1, 1, TM), lambda m, n: (m, 0, 0)),
            pl.BlockSpec(memory_space=pltpu.SMEM),
        ],
        out_shape=[
            jax.ShapeDtypeStruct((mt, 1, TM), jnp.int32),
            jax.ShapeDtypeStruct((1,), jnp.float32),
        ],
        scratch_shapes=[
            pltpu.VMEM((TM,), jnp.float32),
            pltpu.VMEM((TM,), jnp.float32),
            pltpu.VMEM((TM,), jnp.int32),
            pltpu.SMEM((1,), jnp.float32),
        ],
    )(et, xt, x2, n2)


def _sc_gather(table, idx):
    info = plsc.get_sparse_core_info()
    nc, ns = info.num_cores, info.num_subcores
    nw = nc * ns
    b = idx.shape[0]
    d = table.shape[1]
    bpw = b // nw
    mesh = plsc.VectorSubcoreMesh(core_axis_name="c", subcore_axis_name="s")

    @functools.partial(
        pl.kernel,
        mesh=mesh,
        out_type=jax.ShapeDtypeStruct((b, d), jnp.float32),
        scratch_types=[
            pltpu.VMEM((bpw,), jnp.int32),
            pltpu.VMEM((bpw, d), jnp.float32),
            pltpu.SemaphoreType.DMA,
        ],
    )
    def k(table_hbm, idx_hbm, out_hbm, idx_v, rows_v, sem):
        wid = lax.axis_index("s") * nc + lax.axis_index("c")
        base = wid * bpw
        pltpu.sync_copy(idx_hbm.at[pl.ds(base, bpw)], idx_v)
        pltpu.async_copy(table_hbm.at[idx_v], rows_v, sem).wait()
        pltpu.sync_copy(rows_v, out_hbm.at[pl.ds(base, bpw)])

    return k(table, idx)


def kernel(inputs, embedding):
    b, c, h, w = inputs.shape
    xt = inputs.reshape(b, c, h * w)
    et = embedding.T
    x2 = jnp.sum(jnp.transpose(inputs, (0, 2, 3, 1)) ** 2, axis=3)
    x2 = x2.reshape(b, 1, h * w)
    n2 = jnp.sum(embedding ** 2, axis=0).reshape(-1, 1, TN)
    idx3, loss_sum = _argmin_call(et, xt, x2, n2)
    idx_flat = idx3.reshape(-1)
    quant_flat = _sc_gather(et, idx_flat)
    quantized = jnp.transpose(quant_flat.reshape(b, h, w, c), (0, 3, 1, 2))
    commitment_loss = loss_sum[0] * (COMMITMENT_COST / (b * c * h * w))
    indices = idx_flat.reshape(b, h, w)
    return (quantized, commitment_loss, indices)

# --- scband reference (transcript-rebuilt; emitter-appended) ---
"""Pipeline reference for scband-vector-quantizer-ema-74483322847343 (READ-ONLY COPY).

The authoritative reference and input builder live on the scoring server;
editing this copy changes nothing except your own understanding.
"""

import jax, jax.numpy as jnp
import numpy as np

NUM_EMBEDDINGS = 8192
EMBEDDING_DIM = 256
COMMITMENT_COST = 0.25


def setup_inputs(seed: int = 0) -> dict:
    key = jax.random.key(seed)
    k1, k2 = jax.random.split(key)
    inputs = jax.random.normal(k1, (8, EMBEDDING_DIM, 32, 32), dtype=jnp.float32)
    # buffer: embedding has shape (embedding_dim, num_embeddings) as in the torch module
    embedding = jax.random.normal(k2, (EMBEDDING_DIM, NUM_EMBEDDINGS), dtype=jnp.float32)
    return {"inputs": inputs, "embedding": embedding}


def reference(inputs, embedding):
    b, c, h, w = inputs.shape
    flat = jnp.transpose(inputs, (0, 2, 3, 1)).reshape(-1, c)
    distances = (
        jnp.sum(flat ** 2, axis=1, keepdims=True)
        - 2.0 * jnp.matmul(flat, embedding)
        + jnp.sum(embedding ** 2, axis=0, keepdims=True)
    )
    encoding_indices = jnp.argmin(distances, axis=1)
    # one_hot @ embedding.T is equivalent to a gather of codebook rows
    quantized = jnp.take(embedding.T, encoding_indices, axis=0)
    quantized = quantized.reshape(b, h, w, c)
    quantized = jnp.transpose(quantized, (0, 3, 1, 2))
    commitment_loss = COMMITMENT_COST * jnp.mean(
        (jax.lax.stop_gradient(quantized) - inputs) ** 2
    )
    quantized_st = inputs + jax.lax.stop_gradient(quantized - inputs)
    indices = encoding_indices.reshape(b, h, w)
    return (quantized_st, commitment_loss, indices)

if __name__ == "__main__":
    import jax
    _d = setup_inputs()
    print(jax.jit(kernel)(*tuple(_d.values())))

</pallas_src>

<mosaic_0001>
#map = affine_map<(d0, d1) -> (0, 0)>
#map1 = affine_map<(d0, d1) -> (0)>
module attributes {stable_mosaic.version = 14 : i64} {
  func.func @k(%arg0: i32, %arg1: i32, %arg2: memref<8192x256xf32, #tpu.memory_space<hbm>>, %arg3: memref<8192xi32, #tpu.memory_space<hbm>>, %arg4: memref<8192x256xf32, #tpu.memory_space<hbm>>, %arg5: memref<256xi32, #tpu.memory_space<vmem>>, %arg6: memref<256x256xf32, #tpu.memory_space<vmem>>, %arg7: memref<!tpu.dma_semaphore, #tpu.memory_space<semaphore_mem>>) attributes {dimension_semantics = [#tpu.dimension_semantics<core_parallel>, #tpu.dimension_semantics<subcore_parallel>], iteration_bounds = array<i64: 2, 16>, scalar_prefetch = 0 : i64, scratch_operands = 3 : i64, tpu.core_type = #tpu.core_type<sc_vector_subcore>, window_params = [{transform_indices = #map}, {transform_indices = #map1}, {transform_indices = #map}]} {
    %mul3A = arith.constant 2 : i32
    %mul3A_0 = arith.muli %arg1, %mul3A : i32
    %add3A = arith.addi %mul3A_0, %arg0 : i32
    %mul3A_1 = arith.constant 256 : i32
    %mul3A_2 = arith.muli %add3A, %mul3A_1 : i32
    "tpu.region"() ({
      %run_scoped3A = tpu.sem_alloc : memref<!tpu.dma_semaphore, #tpu.memory_space<semaphore_mem>>
      %dma_start3A_7 = tpu.memref_slice %arg3[%mul3A_2] : memref<8192xi32, #tpu.memory_space<hbm>> -> memref<256xi32, #tpu.memory_space<hbm>>
      %dma_start3A_8 = tpu.memref_slice %arg3[%mul3A_2] : memref<8192xi32, #tpu.memory_space<hbm>> -> memref<256xi32, #tpu.memory_space<hbm>>
      tpu.enqueue_dma source(%dma_start3A_8 : memref<256xi32, #tpu.memory_space<hbm>>) target(%arg5 : memref<256xi32, #tpu.memory_space<vmem>>) target_semaphore(%run_scoped3A : memref<!tpu.dma_semaphore, #tpu.memory_space<semaphore_mem>>)
      %dma_wait3A_9 = tpu.memref_slice %arg3[%mul3A_2] : memref<8192xi32, #tpu.memory_space<hbm>> -> memref<256xi32, #tpu.memory_space<hbm>>
      %dma_wait3A_10 = tpu.memref_slice %arg3[%mul3A_2] : memref<8192xi32, #tpu.memory_space<hbm>> -> memref<256xi32, #tpu.memory_space<hbm>>
      tpu.wait_dma2 semaphore(%run_scoped3A : memref<!tpu.dma_semaphore, #tpu.memory_space<semaphore_mem>>) src(%dma_wait3A_10 : memref<256xi32, #tpu.memory_space<hbm>>) dst(%arg5 : memref<256xi32, #tpu.memory_space<vmem>>)
      tpu.yield
    }) : () -> ()
    %dma_start3A = arith.constant 0 : i32
    %dma_start3A_3 = arith.constant 0 : i32
    %dma_start3A_4 = tpu.memref_slice %arg2[%dma_start3A, %dma_start3A_3] : memref<8192x256xf32, #tpu.memory_space<hbm>> -> memref<8192x256xf32, #tpu.memory_space<hbm>>
    tpu.enqueue_indirect_dma source(%dma_start3A_4 : memref<8192x256xf32, #tpu.memory_space<hbm>>) target(%arg6 : memref<256x256xf32, #tpu.memory_space<vmem>>) offsets(%arg5 : memref<256xi32, #tpu.memory_space<vmem>>) semaphore(%arg7 : memref<!tpu.dma_semaphore, #tpu.memory_space<semaphore_mem>>)
    %dma_wait3A = arith.constant 0 : i32
    %dma_wait3A_5 = arith.constant 0 : i32
    %dma_wait3A_6 = tpu.memref_slice %arg2[%dma_wait3A, %dma_wait3A_5] : memref<8192x256xf32, #tpu.memory_space<hbm>> -> memref<8192x256xf32, #tpu.memory_space<hbm>>
    tpu.wait_indirect_dma semaphore(%arg7 : memref<!tpu.dma_semaphore, #tpu.memory_space<semaphore_mem>>) src(%dma_wait3A_6 : memref<8192x256xf32, #tpu.memory_space<hbm>>) dst(%arg6 : memref<256x256xf32, #tpu.memory_space<vmem>>)
    "tpu.region"() ({
      %run_scoped3A = tpu.sem_alloc : memref<!tpu.dma_semaphore, #tpu.memory_space<semaphore_mem>>
      %dma_start3A_7 = arith.constant 0 : i32
      %dma_start3A_8 = tpu.memref_slice %arg4[%mul3A_2, %dma_start3A_7] : memref<8192x256xf32, #tpu.memory_space<hbm>> -> memref<256x256xf32, #tpu.memory_space<hbm>>
      %dma_start3A_9 = arith.constant 0 : i32
      %dma_start3A_10 = tpu.memref_slice %arg4[%mul3A_2, %dma_start3A_9] : memref<8192x256xf32, #tpu.memory_space<hbm>> -> memref<256x256xf32, #tpu.memory_space<hbm>>
      tpu.enqueue_dma source(%arg6 : memref<256x256xf32, #tpu.memory_space<vmem>>) target(%dma_start3A_10 : memref<256x256xf32, #tpu.memory_space<hbm>>) target_semaphore(%run_scoped3A : memref<!tpu.dma_semaphore, #tpu.memory_space<semaphore_mem>>)
      %dma_wait3A_11 = arith.constant 0 : i32
      %dma_wait3A_12 = tpu.memref_slice %arg4[%mul3A_2, %dma_wait3A_11] : memref<8192x256xf32, #tpu.memory_space<hbm>> -> memref<256x256xf32, #tpu.memory_space<hbm>>
      %dma_wait3A_13 = arith.constant 0 : i32
      %dma_wait3A_14 = tpu.memref_slice %arg4[%mul3A_2, %dma_wait3A_13] : memref<8192x256xf32, #tpu.memory_space<hbm>> -> memref<256x256xf32, #tpu.memory_space<hbm>>
      tpu.wait_dma2 semaphore(%run_scoped3A : memref<!tpu.dma_semaphore, #tpu.memory_space<semaphore_mem>>) src(%arg6 : memref<256x256xf32, #tpu.memory_space<vmem>>) dst(%dma_wait3A_14 : memref<256x256xf32, #tpu.memory_space<hbm>>)
      tpu.yield
    }) : () -> ()
    return
  }
}

module attributes {stable_mosaic.version = 14 : i64} {
  func.func @_argmin_body(%arg0: i32, %arg1: i32, %arg2: memref<2048x256xf32, #tpu.memory_space<vmem>>, %arg3: memref<1x256x1024xf32, #tpu.memory_space<vmem>>, %arg4: memref<1x1x1024xf32, #tpu.memory_space<vmem>>, %arg5: memref<1x1x2048xf32, #tpu.memory_space<vmem>>, %arg6: memref<1x1x1024xi32, #tpu.memory_space<vmem>>, %arg7: memref<1xf32, #tpu.memory_space<smem>>, %arg8: memref<1024xf32, #tpu.memory_space<vmem>>, %arg9: memref<1024xf32, #tpu.memory_space<vmem>>, %arg10: memref<1024xi32, #tpu.memory_space<vmem>>, %arg11: memref<1xf32, #tpu.memory_space<smem>>) attributes {dimension_semantics = [#tpu.dimension_semantics<arbitrary>, #tpu.dimension_semantics<arbitrary>], iteration_bounds = array<i64: 8, 4>, scalar_prefetch = 0 : i64, scratch_operands = 4 : i64, tpu.core_type = #tpu.core_type<tc>, window_params = [{transform_indices = @transform_0, window_bounds = array<i64: 2048, 256>}, {transform_indices = @transform_1, window_bounds = array<i64: 1, 256, 1024>}, {transform_indices = @transform_2, window_bounds = array<i64: 1, 1, 1024>}, {transform_indices = @transform_3, window_bounds = array<i64: 1, 1, 2048>}, {transform_indices = @transform_4, window_bounds = array<i64: 1, 1, 1024>}, {transform_indices = @transform_5, window_bounds = array<i64: 1>}]} {
    %get3A = arith.constant 0 : index
    %get3A_0 = arith.constant 0 : index
    %get3A_1 = vector.load %arg2[%get3A, %get3A_0] : memref<2048x256xf32, #tpu.memory_space<vmem>>, vector<2048x256xf32>
    %get3A_2 = arith.constant 0 : index
    %get3A_3 = arith.constant 0 : index
    %get3A_4 = arith.constant 0 : index
    %get3A_5 = vector.load %arg3[%get3A_2, %get3A_3, %get3A_4] : memref<1x256x1024xf32, #tpu.memory_space<vmem>>, vector<1x256x1024xf32>
    %get3A_6 = vector.shape_cast %get3A_5 : vector<1x256x1024xf32> to vector<256x1024xf32>
    %dot_general3A = arith.constant dense<0.000000e+00> : vector<2048x1024xf32>
    %dot_general3A_7 = tpu.matmul %get3A_1, %get3A_6, %dot_general3A {dimension_numbers = #tpu.dot_dimension_numbers<[1], [0], [0], [1], [0, 0, 1, 1], [], []>, transpose_lhs_hint = false} : vector<2048x256xf32>, vector<256x1024xf32>, vector<2048x1024xf32> -> vector<2048x1024xf32>
    %get3A_8 = arith.constant 0 : index
    %get3A_9 = arith.constant 0 : index
    %get3A_10 = arith.constant 0 : index
    %get3A_11 = vector.load %arg4[%get3A_8, %get3A_9, %get3A_10] : memref<1x1x1024xf32, #tpu.memory_space<vmem>>, vector<1x1x1024xf32>
    %get3A_12 = vector.shape_cast %get3A_11 : vector<1x1x1024xf32> to vector<1024xf32>
    %get3A_13 = arith.constant 0 : index
    %get3A_14 = arith.constant 0 : index
    %get3A_15 = arith.constant 0 : index
    %get3A_16 = vector.load %arg5[%get3A_13, %get3A_14, %get3A_15] : memref<1x1x2048xf32, #tpu.memory_space<vmem>>, vector<1x1x2048xf32>
    %get3A_17 = vector.shape_cast %get3A_16 : vector<1x1x2048xf32> to vector<2048xf32>
    %broadcast_in_dim3A = vector.shape_cast %get3A_12 : vector<1024xf32> to vector<1x1024xf32>
    %mul3A = arith.constant 2.000000e+00 : f32
    %mul3A_18 = vector.broadcast %mul3A : f32 to vector<2048x1024xf32>
    %mul3A_19 = arith.mulf %mul3A_18, %dot_general3A_7 : vector<2048x1024xf32>
    %sub3A = vector.broadcast %broadcast_in_dim3A : vector<1x1024xf32> to vector<2048x1024xf32>
    %sub3A_20 = arith.subf %sub3A, %mul3A_19 : vector<2048x1024xf32>
    %broadcast_in_dim3A_21 = vector.shape_cast %get3A_17 : vector<2048xf32> to vector<2048x1xf32>
    %add3A = vector.broadcast %broadcast_in_dim3A_21 : vector<2048x1xf32> to vector<2048x1024xf32>
    %add3A_22 = arith.addf %sub3A_20, %add3A : vector<2048x1024xf32>
    %eq3A = arith.constant 0 : i32
    %eq3A_23 = arith.cmpi eq, %arg1, %eq3A : i32
    %convert_element_type3A = arith.extui %eq3A_23 : i1 to i32
    %cond3A = arith.constant 0 : i32
    %cond3A_24 = arith.cmpi ne, %convert_element_type3A, %cond3A : i32
    scf.if %cond3A_24 {
      %reduce_min3A = arith.constant dense<0x7F800000> : vector<1024xf32>
      %reduce_min3A_64 = vector.multi_reduction <minimumf>, %add3A_22, %reduce_min3A [0] : vector<2048x1024xf32> to vector<1024xf32>
      %argmin3A = tpu.reduce_index %add3A_22 {axis = 0 : i32, kind = #tpu.reduction_kind<arg_min>} : vector<2048x1024xf32> -> vector<1024xi32>
      %mul3A_65 = arith.constant 2048 : i32
      %mul3A_66 = arith.muli %arg1, %mul3A_65 : i32
      %add3A_67 = arith.constant 0 : i32
      %add3A_68 = arith.addi %mul3A_66, %add3A_67 : i32
      %add3A_69 = vector.broadcast %add3A_68 : i32 to vector<1024xi32>
      %add3A_70 = arith.addi %argmin3A, %add3A_69 : vector<1024xi32>
      %swap3A = arith.constant 0 : index
      %swap3A_71 = vector.load %arg8[%swap3A] : memref<1024xf32, #tpu.memory_space<vmem>>, vector<1024xf32>
      tpu.vector_store %arg8[%swap3A], %reduce_min3A_64 {strides = array<i32>} : memref<1024xf32, #tpu.memory_space<vmem>>, vector<1024xf32>,
      %swap3A_72 = arith.constant 0 : index
      %swap3A_73 = vector.load %arg9[%swap3A_72] : memref<1024xf32, #tpu.memory_space<vmem>>, vector<1024xf32>
      tpu.vector_store %arg9[%swap3A_72], %reduce_min3A_64 {strides = array<i32>} : memref<1024xf32, #tpu.memory_space<vmem>>, vector<1024xf32>,
      %swap3A_74 = arith.constant 0 : index
      %swap3A_75 = vector.load %arg10[%swap3A_74] : memref<1024xi32, #tpu.memory_space<vmem>>, vector<1024xi32>
      tpu.vector_store %arg10[%swap3A_74], %add3A_70 {strides = array<i32>} : memref<1024xi32, #tpu.memory_space<vmem>>, vector<1024xi32>,
    } else {
    }
    %gt3A = arith.constant 0 : i32
    %gt3A_25 = arith.cmpi sgt, %arg1, %gt3A : i32
    %ne3A = arith.constant 1 : i32
    %ne3A_26 = arith.cmpi ne, %arg1, %ne3A : i32
    %and3A = arith.andi %gt3A_25, %ne3A_26 : i1
    %ne3A_27 = arith.constant 2 : i32
    %ne3A_28 = arith.cmpi ne, %arg1, %ne3A_27 : i32
    %and3A_29 = arith.andi %and3A, %ne3A_28 : i1
    %convert_element_type3A_30 = arith.extui %and3A_29 : i1 to i32
    %cond3A_31 = arith.constant 0 : i32
    %cond3A_32 = arith.cmpi ne, %convert_element_type3A_30, %cond3A_31 : i32
    scf.if %cond3A_32 {
      %reduce_min3A = arith.constant dense<0x7F800000> : vector<1024xf32>
      %reduce_min3A_64 = vector.multi_reduction <minimumf>, %add3A_22, %reduce_min3A [0] : vector<2048x1024xf32> to vector<1024xf32>
      %argmin3A = tpu.reduce_index %add3A_22 {axis = 0 : i32, kind = #tpu.reduction_kind<arg_min>} : vector<2048x1024xf32> -> vector<1024xi32>
      %mul3A_65 = arith.constant 2048 : i32
      %mul3A_66 = arith.muli %arg1, %mul3A_65 : i32
      %add3A_67 = arith.constant 0 : i32
      %add3A_68 = arith.addi %mul3A_66, %add3A_67 : i32
      %add3A_69 = vector.broadcast %add3A_68 : i32 to vector<1024xi32>
      %add3A_70 = arith.addi %argmin3A, %add3A_69 : vector<1024xi32>
      %get3A_71 = arith.constant 0 : index
      %get3A_72 = vector.load %arg8[%get3A_71] : memref<1024xf32, #tpu.memory_space<vmem>>, vector<1024xf32>
      %get3A_73 = arith.constant 0 : index
      %get3A_74 = vector.load %arg10[%get3A_73] : memref<1024xi32, #tpu.memory_space<vmem>>, vector<1024xi32>
      %lt3A = arith.cmpf olt, %reduce_min3A_64, %get3A_72 : vector<1024xf32>
      %select_n3A = arith.select %lt3A, %reduce_min3A_64, %get3A_72 : vector<1024xi1>, vector<1024xf32>
      %swap3A = arith.constant 0 : index
      %swap3A_75 = vector.load %arg8[%swap3A] : memref<1024xf32, #tpu.memory_space<vmem>>, vector<1024xf32>
      tpu.vector_store %arg8[%swap3A], %select_n3A {strides = array<i32>} : memref<1024xf32, #tpu.memory_space<vmem>>, vector<1024xf32>,
      %get3A_76 = arith.constant 0 : index
      %get3A_77 = vector.load %arg9[%get3A_76] : memref<1024xf32, #tpu.memory_space<vmem>>, vector<1024xf32>
      %select_n3A_78 = arith.select %lt3A, %reduce_min3A_64, %get3A_77 : vector<1024xi1>, vector<1024xf32>
      %swap3A_79 = arith.constant 0 : index
      %swap3A_80 = vector.load %arg9[%swap3A_79] : memref<1024xf32, #tpu.memory_space<vmem>>, vector<1024xf32>
      tpu.vector_store %arg9[%swap3A_79], %select_n3A_78 {strides = array<i32>} : memref<1024xf32, #tpu.memory_space<vmem>>, vector<1024xf32>,
      %select_n3A_81 = arith.select %lt3A, %add3A_70, %get3A_74 : vector<1024xi1>, vector<1024xi32>
      %swap3A_82 = arith.constant 0 : index
      %swap3A_83 = vector.load %arg10[%swap3A_82] : memref<1024xi32, #tpu.memory_space<vmem>>, vector<1024xi32>
      tpu.vector_store %arg10[%swap3A_82], %select_n3A_81 {strides = array<i32>} : memref<1024xi32, #tpu.memory_space<vmem>>, vector<1024xi32>,
    } else {
    }
    %eq3A_33 = arith.constant 1 : i32
    %eq3A_34 = arith.cmpi eq, %arg1, %eq3A_33 : i32
    %convert_element_type3A_35 = arith.extui %eq3A_34 : i1 to i32
    %cond3A_36 = arith.constant 0 : i32
    %cond3A_37 = arith.cmpi ne, %convert_element_type3A_35, %cond3A_36 : i32
    scf.if %cond3A_37 {
      %slice3A = vector.extract_strided_slice %add3A_22 {offsets = [0, 0], sizes = [768, 1024], strides = [1, 1]} : vector<2048x1024xf32> to vector<768x1024xf32>
      %reduce_min3A = arith.constant dense<0x7F800000> : vector<1024xf32>
      %reduce_min3A_64 = vector.multi_reduction <minimumf>, %slice3A, %reduce_min3A [0] : vector<768x1024xf32> to vector<1024xf32>
      %argmin3A = tpu.reduce_index %slice3A {axis = 0 : i32, kind = #tpu.reduction_kind<arg_min>} : vector<768x1024xf32> -> vector<1024xi32>
      %mul3A_65 = arith.constant 2048 : i32
      %mul3A_66 = arith.muli %arg1, %mul3A_65 : i32
      %add3A_67 = arith.constant 0 : i32
      %add3A_68 = arith.addi %mul3A_66, %add3A_67 : i32
      %add3A_69 = vector.broadcast %add3A_68 : i32 to vector<1024xi32>
      %add3A_70 = arith.addi %argmin3A, %add3A_69 : vector<1024xi32>
      %get3A_71 = arith.constant 0 : index
      %get3A_72 = vector.load %arg8[%get3A_71] : memref<1024xf32, #tpu.memory_space<vmem>>, vector<1024xf32>
      %get3A_73 = arith.constant 0 : index
      %get3A_74 = vector.load %arg10[%get3A_73] : memref<1024xi32, #tpu.memory_space<vmem>>, vector<1024xi32>
      %lt3A = arith.cmpf olt, %reduce_min3A_64, %get3A_72 : vector<1024xf32>
      %select_n3A = arith.select %lt3A, %reduce_min3A_64, %get3A_72 : vector<1024xi1>, vector<1024xf32>
      %convert_element_type3A_75 = arith.truncf %select_n3A : vector<1024xf32> to vector<1024xbf16>
      %convert_element_type3A_76 = arith.extf %convert_element_type3A_75 : vector<1024xbf16> to vector<1024xf32>
      %swap3A = arith.constant 0 : index
      %swap3A_77 = vector.load %arg8[%swap3A] : memref<1024xf32, #tpu.memory_space<vmem>>, vector<1024xf32>
      tpu.vector_store %arg8[%swap3A], %convert_element_type3A_76 {strides = array<i32>} : memref<1024xf32, #tpu.memory_space<vmem>>, vector<1024xf32>,
      %get3A_78 = arith.constant 0 : index
      %get3A_79 = vector.load %arg9[%get3A_78] : memref<1024xf32, #tpu.memory_space<vmem>>, vector<1024xf32>
      %select_n3A_80 = arith.select %lt3A, %reduce_min3A_64, %get3A_79 : vector<1024xi1>, vector<1024xf32>
      %swap3A_81 = arith.constant 0 : index
      %swap3A_82 = vector.load %arg9[%swap3A_81] : memref<1024xf32, #tpu.memory_space<vmem>>, vector<1024xf32>
      tpu.vector_store %arg9[%swap3A_81], %select_n3A_80 {strides = array<i32>} : memref<1024xf32, #tpu.memory_space<vmem>>, vector<1024xf32>,
      %select_n3A_83 = arith.select %lt3A, %add3A_70, %get3A_74 : vector<1024xi1>, vector<1024xi32>
      %swap3A_84 = arith.constant 0 : index
      %swap3A_85 = vector.load %arg10[%swap3A_84] : memref<1024xi32, #tpu.memory_space<vmem>>, vector<1024xi32>
      tpu.vector_store %arg10[%swap3A_84], %select_n3A_83 {strides = array<i32>} : memref<1024xi32, #tpu.memory_space<vmem>>, vector<1024xi32>,
      %slice3A_86 = vector.extract_strided_slice %add3A_22 {offsets = [768, 0], sizes = [1280, 1024], strides = [1, 1]} : vector<2048x1024xf32> to vector<1280x1024xf32>
      %reduce_min3A_87 = arith.constant dense<0x7F800000> : vector<1024xf32>
      %reduce_min3A_88 = vector.multi_reduction <minimumf>, %slice3A_86, %reduce_min3A_87 [0] : vector<1280x1024xf32> to vector<1024xf32>
      %argmin3A_89 = tpu.reduce_index %slice3A_86 {axis = 0 : i32, kind = #tpu.reduction_kind<arg_min>} : vector<1280x1024xf32> -> vector<1024xi32>
      %mul3A_90 = arith.constant 2048 : i32
      %mul3A_91 = arith.muli %arg1, %mul3A_90 : i32
      %add3A_92 = arith.constant 768 : i32
      %add3A_93 = arith.addi %mul3A_91, %add3A_92 : i32
      %add3A_94 = vector.broadcast %add3A_93 : i32 to vector<1024xi32>
      %add3A_95 = arith.addi %argmin3A_89, %add3A_94 : vector<1024xi32>
      %get3A_96 = arith.constant 0 : index
      %get3A_97 = vector.load %arg8[%get3A_96] : memref<1024xf32, #tpu.memory_space<vmem>>, vector<1024xf32>
      %get3A_98 = arith.constant 0 : index
      %get3A_99 = vector.load %arg10[%get3A_98] : memref<1024xi32, #tpu.memory_space<vmem>>, vector<1024xi32>
      %lt3A_100 = arith.cmpf olt, %reduce_min3A_88, %get3A_97 : vector<1024xf32>
      %select_n3A_101 = arith.select %lt3A_100, %reduce_min3A_88, %get3A_97 : vector<1024xi1>, vector<1024xf32>
      %swap3A_102 = arith.constant 0 : index
      %swap3A_103 = vector.load %arg8[%swap3A_102] : memref<1024xf32, #tpu.memory_space<vmem>>, vector<1024xf32>
      tpu.vector_store %arg8[%swap3A_102], %select_n3A_101 {strides = array<i32>} : memref<1024xf32, #tpu.memory_space<vmem>>, vector<1024xf32>,
      %get3A_104 = arith.constant 0 : index
      %get3A_105 = vector.load %arg9[%get3A_104] : memref<1024xf32, #tpu.memory_space<vmem>>, vector<1024xf32>
      %select_n3A_106 = arith.select %lt3A_100, %reduce_min3A_88, %get3A_105 : vector<1024xi1>, vector<1024xf32>
      %swap3A_107 = arith.constant 0 : index
      %swap3A_108 = vector.load %arg9[%swap3A_107] : memref<1024xf32, #tpu.memory_space<vmem>>, vector<1024xf32>
      tpu.vector_store %arg9[%swap3A_107], %select_n3A_106 {strides = array<i32>} : memref<1024xf32, #tpu.memory_space<vmem>>, vector<1024xf32>,
      %select_n3A_109 = arith.select %lt3A_100, %add3A_95, %get3A_99 : vector<1024xi1>, vector<1024xi32>
      %swap3A_110 = arith.constant 0 : index
      %swap3A_111 = vector.load %arg10[%swap3A_110] : memref<1024xi32, #tpu.memory_space<vmem>>, vector<1024xi32>
      tpu.vector_store %arg10[%swap3A_110], %select_n3A_109 {strides = array<i32>} : memref<1024xi32, #tpu.memory_space<vmem>>, vector<1024xi32>,
    } else {
    }
    %eq3A_38 = arith.constant 2 : i32
    %eq3A_39 = arith.cmpi eq, %arg1, %eq3A_38 : i32
    %convert_element_type3A_40 = arith.extui %eq3A_39 : i1 to i32
    %cond3A_41 = arith.constant 0 : i32
    %cond3A_42 = arith.cmpi ne, %convert_element_type3A_40, %cond3A_41 : i32
    scf.if %cond3A_42 {
      %slice3A = vector.extract_strided_slice %add3A_22 {offsets = [0, 0], sizes = [1536, 1024], strides = [1, 1]} : vector<2048x1024xf32> to vector<1536x1024xf32>
      %reduce_min3A = arith.constant dense<0x7F800000> : vector<1024xf32>
      %reduce_min3A_64 = vector.multi_reduction <minimumf>, %slice3A, %reduce_min3A [0] : vector<1536x1024xf32> to vector<1024xf32>
      %argmin3A = tpu.reduce_index %slice3A {axis = 0 : i32, kind = #tpu.reduction_kind<arg_min>} : vector<1536x1024xf32> -> vector<1024xi32>
      %mul3A_65 = arith.constant 2048 : i32
      %mul3A_66 = arith.muli %arg1, %mul3A_65 : i32
      %add3A_67 = arith.constant 0 : i32
      %add3A_68 = arith.addi %mul3A_66, %add3A_67 : i32
      %add3A_69 = vector.broadcast %add3A_68 : i32 to vector<1024xi32>
      %add3A_70 = arith.addi %argmin3A, %add3A_69 : vector<1024xi32>
      %get3A_71 = arith.constant 0 : index
      %get3A_72 = vector.load %arg8[%get3A_71] : memref<1024xf32, #tpu.memory_space<vmem>>, vector<1024xf32>
      %get3A_73 = arith.constant 0 : index
      %get3A_74 = vector.load %arg10[%get3A_73] : memref<1024xi32, #tpu.memory_space<vmem>>, vector<1024xi32>
      %lt3A = arith.cmpf olt, %reduce_min3A_64, %get3A_72 : vector<1024xf32>
      %select_n3A = arith.select %lt3A, %reduce_min3A_64, %get3A_72 : vector<1024xi1>, vector<1024xf32>
      %convert_element_type3A_75 = arith.truncf %select_n3A : vector<1024xf32> to vector<1024xbf16>
      %convert_element_type3A_76 = arith.extf %convert_element_type3A_75 : vector<1024xbf16> to vector<1024xf32>
      %swap3A = arith.constant 0 : index
      %swap3A_77 = vector.load %arg8[%swap3A] : memref<1024xf32, #tpu.memory_space<vmem>>, vector<1024xf32>
      tpu.vector_store %arg8[%swap3A], %convert_element_type3A_76 {strides = array<i32>} : memref<1024xf32, #tpu.memory_space<vmem>>, vector<1024xf32>,
      %get3A_78 = arith.constant 0 : index
      %get3A_79 = vector.load %arg9[%get3A_78] : memref<1024xf32, #tpu.memory_space<vmem>>, vector<1024xf32>
      %select_n3A_80 = arith.select %lt3A, %reduce_min3A_64, %get3A_79 : vector<1024xi1>, vector<1024xf32>
      %swap3A_81 = arith.constant 0 : index
      %swap3A_82 = vector.load %arg9[%swap3A_81] : memref<1024xf32, #tpu.memory_space<vmem>>, vector<1024xf32>
      tpu.vector_store %arg9[%swap3A_81], %select_n3A_80 {strides = array<i32>} : memref<1024xf32, #tpu.memory_space<vmem>>, vector<1024xf32>,
      %select_n3A_83 = arith.select %lt3A, %add3A_70, %get3A_74 : vector<1024xi1>, vector<1024xi32>
      %swap3A_84 = arith.constant 0 : index
      %swap3A_85 = vector.load %arg10[%swap3A_84] : memref<1024xi32, #tpu.memory_space<vmem>>, vector<1024xi32>
      tpu.vector_store %arg10[%swap3A_84], %select_n3A_83 {strides = array<i32>} : memref<1024xi32, #tpu.memory_space<vmem>>, vector<1024xi32>,
      %slice3A_86 = vector.extract_strided_slice %add3A_22 {offsets = [1536, 0], sizes = [512, 1024], strides = [1, 1]} : vector<2048x1024xf32> to vector<512x1024xf32>
      %reduce_min3A_87 = arith.constant dense<0x7F800000> : vector<1024xf32>
      %reduce_min3A_88 = vector.multi_reduction <minimumf>, %slice3A_86, %reduce_min3A_87 [0] : vector<512x1024xf32> to vector<1024xf32>
      %argmin3A_89 = tpu.reduce_index %slice3A_86 {axis = 0 : i32, kind = #tpu.reduction_kind<arg_min>} : vector<512x1024xf32> -> vector<1024xi32>
      %mul3A_90 = arith.constant 2048 : i32
      %mul3A_91 = arith.muli %arg1, %mul3A_90 : i32
      %add3A_92 = arith.constant 1536 : i32
      %add3A_93 = arith.addi %mul3A_91, %add3A_92 : i32
      %add3A_94 = vector.broadcast %add3A_93 : i32 to vector<1024xi32>
      %add3A_95 = arith.addi %argmin3A_89, %add3A_94 : vector<1024xi32>
      %get3A_96 = arith.constant 0 : index
      %get3A_97 = vector.load %arg8[%get3A_96] : memref<1024xf32, #tpu.memory_space<vmem>>, vector<1024xf32>
      %get3A_98 = arith.constant 0 : index
      %get3A_99 = vector.load %arg10[%get3A_98] : memref<1024xi32, #tpu.memory_space<vmem>>, vector<1024xi32>
      %lt3A_100 = arith.cmpf olt, %reduce_min3A_88, %get3A_97 : vector<1024xf32>
      %select_n3A_101 = arith.select %lt3A_100, %reduce_min3A_88, %get3A_97 : vector<1024xi1>, vector<1024xf32>
      %swap3A_102 = arith.constant 0 : index
      %swap3A_103 = vector.load %arg8[%swap3A_102] : memref<1024xf32, #tpu.memory_space<vmem>>, vector<1024xf32>
      tpu.vector_store %arg8[%swap3A_102], %select_n3A_101 {strides = array<i32>} : memref<1024xf32, #tpu.memory_space<vmem>>, vector<1024xf32>,
      %get3A_104 = arith.constant 0 : index
      %get3A_105 = vector.load %arg9[%get3A_104] : memref<1024xf32, #tpu.memory_space<vmem>>, vector<1024xf32>
      %select_n3A_106 = arith.select %lt3A_100, %reduce_min3A_88, %get3A_105 : vector<1024xi1>, vector<1024xf32>
      %swap3A_107 = arith.constant 0 : index
      %swap3A_108 = vector.load %arg9[%swap3A_107] : memref<1024xf32, #tpu.memory_space<vmem>>, vector<1024xf32>
      tpu.vector_store %arg9[%swap3A_107], %select_n3A_106 {strides = array<i32>} : memref<1024xf32, #tpu.memory_space<vmem>>, vector<1024xf32>,
      %select_n3A_109 = arith.select %lt3A_100, %add3A_95, %get3A_99 : vector<1024xi1>, vector<1024xi32>
      %swap3A_110 = arith.constant 0 : index
      %swap3A_111 = vector.load %arg10[%swap3A_110] : memref<1024xi32, #tpu.memory_space<vmem>>, vector<1024xi32>
      tpu.vector_store %arg10[%swap3A_110], %select_n3A_109 {strides = array<i32>} : memref<1024xi32, #tpu.memory_space<vmem>>, vector<1024xi32>,
    } else {
    }
    %eq3A_43 = arith.constant 0 : i32
    %eq3A_44 = arith.cmpi eq, %arg0, %eq3A_43 : i32
    %eq3A_45 = arith.constant 0 : i32
    %eq3A_46 = arith.cmpi eq, %arg1, %eq3A_45 : i32
    %and3A_47 = arith.andi %eq3A_44, %eq3A_46 : i1
    %convert_element_type3A_48 = arith.extui %and3A_47 : i1 to i32
    %cond3A_49 = arith.constant 0 : i32
    %cond3A_50 = arith.cmpi ne, %convert_element_type3A_48, %cond3A_49 : i32
    scf.if %cond3A_50 {
      %swap3A = arith.constant 0.000000e+00 : f32
      %swap3A_64 = arith.constant 0 : index
      %swap3A_65 = memref.load %arg11[%swap3A_64] : memref<1xf32, #tpu.memory_space<smem>>
      memref.store %swap3A, %arg11[%swap3A_64] : memref<1xf32, #tpu.memory_space<smem>>
    } else {
    }
    %eq3A_51 = arith.constant 3 : i32
    %eq3A_52 = arith.cmpi eq, %arg1, %eq3A_51 : i32
    %convert_element_type3A_53 = arith.extui %eq3A_52 : i1 to i32
    %cond3A_54 = arith.constant 0 : i32
    %cond3A_55 = arith.cmpi ne, %convert_element_type3A_53, %cond3A_54 : i32
    scf.if %cond3A_55 {
      %get3A_64 = arith.constant 0 : index
      %get3A_65 = vector.load %arg10[%get3A_64] : memref<1024xi32, #tpu.memory_space<vmem>>, vector<1024xi32>
      %swap3A = arith.constant 0 : index
      %swap3A_66 = arith.constant 0 : index
      %swap3A_67 = arith.constant 0 : index
      %swap3A_68 = vector.load %arg6[%swap3A, %swap3A_66, %swap3A_67] : memref<1x1x1024xi32, #tpu.memory_space<vmem>>, vector<1x1x1024xi32>
      %swap3A_69 = vector.shape_cast %swap3A_68 : vector<1x1x1024xi32> to vector<1024xi32>
      %swap3A_70 = vector.shape_cast %get3A_65 : vector<1024xi32> to vector<1x1x1024xi32>
      tpu.vector_store %arg6[%swap3A, %swap3A_66, %swap3A_67], %swap3A_70 {strides = array<i32>} : memref<1x1x1024xi32, #tpu.memory_space<vmem>>, vector<1x1x1024xi32>,
      %get3A_71 = arith.constant 0 : index
      %get3A_72 = memref.load %arg11[%get3A_71] : memref<1xf32, #tpu.memory_space<smem>>
      %get3A_73 = arith.constant 0 : index
      %get3A_74 = vector.load %arg9[%get3A_73] : memref<1024xf32, #tpu.memory_space<vmem>>, vector<1024xf32>
      %reduce_sum3A = vector.shape_cast %get3A_74 : vector<1024xf32> to vector<1x1024xf32>
      %reduce_sum3A_75 = arith.constant dense<0.000000e+00> : vector<1xf32>
      %reduce_sum3A_76 = vector.multi_reduction <add>, %reduce_sum3A, %reduce_sum3A_75 [1] : vector<1x1024xf32> to vector<1xf32>
      %reduce_sum3A_77 = vector.shape_cast %reduce_sum3A_76 : vector<1xf32> to vector<1x1xf32>
      %reduce_sum3A_78 = vector.extract %reduce_sum3A_77[0, 0] : f32 from vector<1x1xf32>
      %add3A_79 = arith.addf %get3A_72, %reduce_sum3A_78 : f32
      %swap3A_80 = arith.constant 0 : index
      %swap3A_81 = memref.load %arg11[%swap3A_80] : memref<1xf32, #tpu.memory_space<smem>>
      memref.store %add3A_79, %arg11[%swap3A_80] : memref<1xf32, #tpu.memory_space<smem>>
    } else {
    }
    %eq3A_56 = arith.constant 7 : i32
    %eq3A_57 = arith.cmpi eq, %arg0, %eq3A_56 : i32
    %eq3A_58 = arith.constant 3 : i32
    %eq3A_59 = arith.cmpi eq, %arg1, %eq3A_58 : i32
    %and3A_60 = arith.andi %eq3A_57, %eq3A_59 : i1
    %convert_element_type3A_61 = arith.extui %and3A_60 : i1 to i32
    %cond3A_62 = arith.constant 0 : i32
    %cond3A_63 = arith.cmpi ne, %convert_element_type3A_61, %cond3A_62 : i32
    scf.if %cond3A_63 {
      %get3A_64 = arith.constant 0 : index
      %get3A_65 = memref.load %arg11[%get3A_64] : memref<1xf32, #tpu.memory_space<smem>>
      %swap3A = arith.constant 0 : index
      %swap3A_66 = memref.load %arg7[%swap3A] : memref<1xf32, #tpu.memory_space<smem>>
      memref.store %get3A_65, %arg7[%swap3A] : memref<1xf32, #tpu.memory_space<smem>>
    } else {
    }
    return
  }
  func.func @transform_0(%arg0: i32, %arg1: i32) -> (i32, i32) {
    %c0_i32 = arith.constant 0 : i32
    %c0_i32_0 = arith.constant 0 : i32
    return %arg1, %c0_i32 : i32, i32
  }
  func.func @transform_1(%arg0: i32, %arg1: i32) -> (i32, i32, i32) {
    %c0_i32 = arith.constant 0 : i32
    %c0_i32_0 = arith.constant 0 : i32
    %c0_i32_1 = arith.constant 0 : i32
    return %arg0, %c0_i32, %c0_i32_0 : i32, i32, i32
  }
  func.func @transform_2(%arg0: i32, %arg1: i32) -> (i32, i32, i32) {
    %c0_i32 = arith.constant 0 : i32
    %c0_i32_0 = arith.constant 0 : i32
    %c0_i32_1 = arith.constant 0 : i32
    return %arg0, %c0_i32, %c0_i32_0 : i32, i32, i32
  }
  func.func @transform_3(%arg0: i32, %arg1: i32) -> (i32, i32, i32) {
    %c0_i32 = arith.constant 0 : i32
    %c0_i32_0 = arith.constant 0 : i32
    %c0_i32_1 = arith.constant 0 : i32
    return %arg1, %c0_i32, %c0_i32_0 : i32, i32, i32
  }
  func.func @transform_4(%arg0: i32, %arg1: i32) -> (i32, i32, i32) {
    %c0_i32 = arith.constant 0 : i32
    %c0_i32_0 = arith.constant 0 : i32
    %c0_i32_1 = arith.constant 0 : i32
    return %arg0, %c0_i32, %c0_i32_0 : i32, i32, i32
  }
  func.func @transform_5(%arg0: i32, %arg1: i32) -> i32 {
    %c0_i32 = arith.constant 0 : i32
    %c0_i32_0 = arith.constant 0 : i32
    return %c0_i32 : i32
  }
}

</mosaic_0001>

<sc_bundles>
// kernel: kernel.4.cloned.1.call-start
scs
__scs_entry_jumppad:
0x0: {  	(pc) =	sbr.rel $0x88, $3  }
0x1: {  	(tag) =	ssettag $0x0;
	lr =	simm.s32 $0x1  }
0x2: {  	[smem:$0x3F9F] =	sst lr;
	_ =	strace $0xD0000000  }
0x3: {  	_ = 	snop  }
0x4: {  	_ = 	snop  }
0x5: {  	_ = 	snop  }
0x6: {  	_ = 	snop  }
0x7: {  	_ = 	snop  }
__scs_overlays_trampoline_lowered:
0x8: {  	[smem:$0x3FAE] =	sst s0  }
0x9: {  	[smem:$0x3FAF] =	sst s1  }
0xa: {  	[smem:$0x3FB0] =	sst s2  }
0xb: {  	[smem:$0x3FB1] =	sst s3  }
0xc: {  	[smem:$0x3FB2] =	sst s4  }
0xd: {  	[smem:$0x3FB3] =	sst s5  }
0xe: {  	[smem:$0x3FB4] =	sst s6  }
0xf: {  	[smem:$0x3FB5] =	sst s7  }
0x10: {  	[smem:$0x3FB6] =	sst s8  }
0x11: {  	[smem:$0x3FB7] =	sst s9;
	s0 =	simm.s32 @!p0 $0x0  }
0x12: {  	s1 =	sld [smem:$0x3F9D];
	s0 =	simm.s32 @p0 $0x1  }
0x13: {  	[smem:$0x3FB8] =	sst s0;
	s0 =	simm.s32 @!p1 $0x0  }
0x14: {  	s2 =	sld [smem:$0x3F9C];
	s0 =	simm.s32 @p1 $0x1  }
0x15: {  	[smem:$0x3FB9] =	sst s0;
	s0 =	simm.s32 @!p2 $0x0  }
0x16: {  	s3 =	sld [smem:$0x3FDB];
	s0 =	simm.s32 @p2 $0x1  }
0x17: {  	s4 =	simm.s32 $0x1BF5;
	[smem:$0x3FBB] =	sst s0  }
0x18: {  	s0 =	sld [smem:$0x3F9E];
	_ =	swait.ge [sflag:s4], $0x0  }
0x19: {  	s7 =	sld [smem:$0x3F9F]  }
0x1a: {  	s8 =	sadd.s32 $0xFFFFE003, lr  }
0x1b: {  	s9 =	sadd.s32 $0xFFFFFEF7, lr;
	s5 =	simm.s32 $0xFFFFFFFF;
	p2 =	slt.u32 s8, $0xFFFFF086  }
0x1c: {  	p1 =	slt.u32 s9, $0xF7A;
	s5 =	simm.s32 @!p2 $0x0  }
0x1d: {  	s5 =	simm.s32 @p1 $0x1;
	p0 =	seq.s32 s7, s2  }
0x1e: {  	s7 =	smul.u32 @!p0 $0xF7A, s2;
	p2 =	seq.s32 @!p0 s5, $0x0  }
0x1f: {  	s9 =	smul.u32 $0xF7A, s1;
	s8 =	simm.s32 @!p0 $0x1BF5;
	p2 =	por !p2, p0  }
0x20: {  	[sflag:s8] =	ssyncset.s32 @!p0 $0xFFFFF086;
	s6 =	sadd.s32 @!p0 s3, s7;
	s7 =	simm.s32 @!p0 $0x108  }
0x21: {  	s3 =	sadd.s32 s3, s9;
	s6 =	sadd.s32 @!p0 $0x88, s6;
	s7 =	simm.s32 @p2 $0x1082  }
0x22: {  	[simem:s7], [sflag:s8] =	dma.local @!p0 [hbm:s6], $0xF7A  }
0x23: {  	s9 =	sor.u32 $0xD0000000, s2;
	s6 =	simm.s32 $0x108;
	_ =	swait.ge @!p0 [sflag:s8], $0x0  }
0x24: {  	s3 =	sadd.s32 $0x88, s3;
	s6 =	simm.s32 @!p1 $0x1082;
	[sflag:s4] =	ssyncset.s32 $0xFFFFF086  }
0x25: {  	[simem:s6], [sflag:s4] =	dma.local [hbm:s3], $0xF7A  }
0x26: {  	[smem:$0x3F9F] =	sst s1;
	(tag) =	ssettag s2;
	_ =	strace s9  }
0x27: {  	s1 =	sld [smem:$0x3FAF]  }
0x28: {  	s2 =	sld [smem:$0x3FB0]  }
0x29: {  	s4 =	sld [smem:$0x3FB2]  }
0x2a: {  	p0 =	seq.s32 s5, $0x0;
	s5 =	sld [smem:$0x3FB3]  }
0x2b: {  	s6 =	sld [smem:$0x3FB4]  }
0x2c: {  	s7 =	sld [smem:$0x3FB5]  }
0x2d: {  	s3 =	simm.s32 $0x108;
	s8 =	sld [smem:$0x3FB6]  }
0x2e: {  	s3 =	simm.s32 @!p0 $0x1082;
	s9 =	sld [smem:$0x3FB7]  }
0x2f: {  	lr =	sadd.s32 s0, s3;
	s0 =	sld [smem:$0x3FAE]  }
0x30: {  	s3 =	sld [smem:$0x3FB1]  }
0x31: {  	[smem:$0x3FBA] =	sst s10  }
0x32: {  	s10 =	sld [smem:$0x3FB8];
	_ =	sdelay $0x3  }
0x33: {  	p0 =	seq.s32 s10, $0x1;
	s10 =	sld [smem:$0x3FBA];
	_ =	sdelay $0x3  }
0x34: {  	[smem:$0x3FBA] =	sst s10  }
0x35: {  	s10 =	sld [smem:$0x3FB9];
	_ =	sdelay $0x3  }
0x36: {  	p1 =	seq.s32 s10, $0x1;
	s10 =	sld [smem:$0x3FBA];
	_ =	sdelay $0x3  }
0x37: {  	[smem:$0x3FBA] =	sst s10  }
0x38: {  	s10 =	sld [smem:$0x3FBB]  }
0x39: {  	_ = 	snop;
	(pc) =	sbr.ind lr, $3  }
0x3a: {  	_ = 	snop  }
0x3b: {  	_ = 	snop  }
0x3c: {  	p2 =	seq.s32 s10, $0x1;
	s10 =	sld [smem:$0x3FBA]  }
0x3d: {  	_ =	shalt  }
0x3e: {  	_ =	shalt  }
0x3f: {  	_ =	shalt  }
0x40: {  	_ =	shalt  }
0x41: {  	_ =	shalt  }
0x42: {  	_ =	shalt  }
0x43: {  	_ =	shalt  }
0x44: {  	_ =	shalt  }
0x45: {  	_ =	shalt  }
0x46: {  	_ =	shalt  }
0x47: {  	_ =	shalt  }
0x48: {  	_ =	shalt  }
0x49: {  	_ =	shalt  }
0x4a: {  	_ =	shalt  }
0x4b: {  	_ =	shalt  }
0x4c: {  	_ =	shalt  }
0x4d: {  	_ =	shalt  }
0x4e: {  	_ =	shalt  }
0x4f: {  	_ =	shalt  }
0x50: {  	_ =	shalt  }
0x51: {  	_ =	shalt  }
0x52: {  	_ =	shalt  }
0x53: {  	_ =	shalt  }
0x54: {  	_ =	shalt  }
0x55: {  	_ =	shalt  }
0x56: {  	_ =	shalt  }
0x57: {  	_ =	shalt  }
0x58: {  	_ =	shalt  }
0x59: {  	_ =	shalt  }
0x5a: {  	_ =	shalt  }
0x5b: {  	_ =	shalt  }
0x5c: {  	_ =	shalt  }
0x5d: {  	_ =	shalt  }
0x5e: {  	_ =	shalt  }
0x5f: {  	_ =	shalt  }
0x60: {  	_ =	shalt  }
0x61: {  	_ =	shalt  }
0x62: {  	_ =	shalt  }
0x63: {  	_ =	shalt  }
0x64: {  	_ =	shalt  }
0x65: {  	_ =	shalt  }
0x66: {  	_ =	shalt  }
0x67: {  	_ =	shalt  }
0x68: {  	_ =	shalt  }
0x69: {  	_ =	shalt  }
0x6a: {  	_ =	shalt  }
0x6b: {  	_ =	shalt  }
0x6c: {  	_ =	shalt  }
0x6d: {  	_ =	shalt  }
0x6e: {  	_ =	shalt  }
0x6f: {  	_ =	shalt  }
0x70: {  	_ =	shalt  }
0x71: {  	_ =	shalt  }
0x72: {  	_ =	shalt  }
0x73: {  	_ =	shalt  }
0x74: {  	_ =	shalt  }
0x75: {  	_ =	shalt  }
0x76: {  	_ =	shalt  }
0x77: {  	_ =	shalt  }
0x78: {  	_ =	shalt  }
0x79: {  	_ =	shalt  }
0x7a: {  	_ =	shalt  }
0x7b: {  	_ =	shalt  }
0x7c: {  	_ =	shalt  }
0x7d: {  	_ =	shalt  }
0x7e: {  	_ =	shalt  }
0x7f: {  	_ =	shalt  }
0x80: {  	_ =	shalt  }
0x81: {  	_ =	shalt  }
0x82: {  	_ =	shalt  }
0x83: {  	_ =	shalt  }
0x84: {  	_ =	shalt  }
0x85: {  	_ =	shalt  }
0x86: {  	_ =	shalt  }
0x87: {  	_ =	shalt  }
.Lfunc_end0:
.L_simem_size_0:
called_computation_lowered:
.L_overlay_start_0:
0x88: {  	s2 =	sld [smem:$0x3FD9]  }
0x89: {  	s3 =	sld [smem:$0x3FFE];
	_ =	sdelay $0x1  }
0x8a: {  	s1 =	srdreg.scid  }
0x8b: {  	s0 =	sand.u32 $0x1, s1  }
0x8c: {  	s14 =	sshll.u32 s0, $0xA;
	s2 =	sadd.s32 s3, s2  }
0x8d: {  	s2 =	sadd.s32 s2, s14  }
0x8e: {  	[smem:$0x3FC6] =	sst s2  }
0x8f: {  	_ = 	snop  }
0x90: {  	s2 =	sld [smem:$0x3FD0];
	_ =	sdelay $0x2  }
0x91: {  	s15 =	simm.s32 $0xA;
	s4 =	simm.s32 $0x10  }
0x92: {  	[smem:s4], [sflag:s15] =	dma.local [hbm:s2], $0x1  }
0x93: {  	_ =	swait.eq [sflag:s15], $0x1  }
0x94: {  	[sflag:s15] =	ssyncset.done $0x0  }
0x95: {  	[sflag:s15] =	ssyncadd.s32 $0xFFFFFFFF  }
0x96: {  	s16 =	sld [smem:$0x10];
	(tm) =	ssettm $0x1  }
0x97: {  	s17 =	sld [smem:$0x3FFB];
	_ =	sdelay $0x3  }
0x98: {  	_ =	strace s17  }
0x99: {  	s3 =	sld [smem:$0x3FFC];
	_ =	sdelay $0x3  }
0x9a: {  	_ =	strace s3  }
0x9b: {  	s3 =	sld [smem:$0x3FFD];
	_ =	sdelay $0x3  }
0x9c: {  	_ =	strace s3  }
0x9d: {  	_ =	strace $0x8FFFFFFF  }
0x9e: {  	s18 =	sld [smem:$0x3FDB];
	_ =	sdelay $0x1  }
0x9f: {  	s19 =	simm.s32 $_scs_section_size  }
0xa0: {  	s5 =	simm.s32 $_size__tile_overlayer_lowered;
	s6 =	simm.s32 $_tile_overlayer_lowered  }
0xa1: {  	s22 =	simm.s32 $0x1BFF;
	s21 =	sshll.u32 s6, $0x1;
	s3 =	sadd.s32 s19, s18  }
0xa2: {  	s7 =	simm.s32 $0x0;
	s20 =	sshll.u32 s5, $0x1;
	s5 =	sadd.s32 s21, s3  }
0xa3: {  	[timem:s7], [sflag:s22] =	dma.local [hbm:s5], s20  }
0xa4: {  	_ =	swait.ge [sflag:s22], s20  }
0xa5: {  	s4 =	ssub.s32 $0x0, s20;
	[sflag:s22] =	ssyncset.done $0x0  }
0xa6: {  	[sflag:s22] =	ssyncadd.s32 s4;
	_ =	sdelay $0x1  }
0xa7: {  	s23 =	simm.s32 $0x1B8B  }
0xa8: {  	_ =	swait.ge [sflag:s23], $0x1  }
0xa9: {  	[sflag:s23] =	ssyncset.done $0x0  }
0xaa: {  	s25 =	simm.s32 $0x1B8E;
	s24 =	sld [smem:$0x3FFE];
	[sflag:s23] =	ssyncadd.s32 $0xFFFFFFFF  }
0xab: {  	s26 =	simm.s32 $execute0_lowered;
	[smem:$0x3FD2] =	sst s25  }
0xac: {  	s5 =	sshll.u32 s26, $0x1;
	_ =	strace $0x80000046;
	[dreg:$0x1] =	wrdreg $0xFFFFFFFF  }
0xad: {  	s28 =	simm.s32 $_size_execute0_lowered;
	s3 =	sadd.s32 s3, s5;
	[dreg:$0x0] =	wrdreg $0x0  }
0xae: {  	s5 =	sshll.u32 s28, $0x1;
	[dreg:$0x2] =	wrdreg s3  }
0xaf: {  	[dreg:$0x3] =	wrdreg s5  }
0xb0: {  	[dreg:$0x4] =	wrdreg $0xC0  }
0xb1: {  	_ =	task [dreg:s7], $0x5FFFF  }
0xb2: {  	[dreg:$0x1] =	wrdreg $0xFFFFFFFF  }
0xb3: {  	[dreg:$0x0] =	wrdreg $0x60  }
0xb4: {  	[dreg:$0x2] =	wrdreg s24  }
0xb5: {  	[dreg:$0x3] =	wrdreg s16  }
0xb6: {  	[dreg:$0x4] =	wrdreg $0x9  }
0xb7: {  	_ =	task.clear_ibuf [dreg:s7], $0x5FFFF;
	_ =	strace $0x90000046  }
0xb8: {  	s29 =	simm.s32 $0x9;
	_ =	strace $0x80000048  }
0xb9: {  	_ =	swait.ge [sflag:s29], $0x1  }
0xba: {  	[sflag:s29] =	ssyncadd.s32 $0xFFFFFFFF  }
0xbb: {  	_ =	strace $0x90000048  }
0xbc: {  	_ =	sfence  }
0xbd: {  	s30 =	sld [smem:$0x0];
	_ =	sdelay $0x2  }
0xbe: {  	s31 =	sshll.u32 s1, $0xD;
	s1 =	sshrl.u32 s1, $0x2  }
0xbf: {  	s3 =	sand.u32 $0x4000, s31;
	s1 =	sadd.s32 s1, s30  }
0xc0: {  	s0 =	sor.u32 s3, s0;
	s1 =	sshll.u32 s1, $0x11  }
0xc1: {  	s0 =	sor.u32 s1, s0  }
0xc2: {  	s0 =	sadd.s32 $0x8F2B, s0  }
0xc3: {  	[sflag:s0] =	ssyncadd.remote.s32 $0x1  }
0xc4: {  	_ =	sfence.sel $0xFFFF  }
0xc5: {  	[dreg:$0x0] =	wrdreg $0xFFFFFFFF;
	(pc) =	sbr.abs _section_cstart, $3  }
0xc6: {  	[dreg:$0x1] =	wrdreg $0xFFFFFFFF  }
0xc7: {  	_ =	task.clear_ibuf [dreg:s7], $0x2FFFF;
	_ =	strace $0x9FFFFFFF  }
0xc8: {  	(tm) =	ssettm $0x7FFFFFFF  }
0xc9: {  	_ =	shalt  }
tec
execute0_lowered:
.L_overlay_start_1:
0x0: {  	(tag) =	ssettag $0x1  }
0x1: {  	s1 =	srdreg.scid;
	s2 =	rddreg [dreg:$0x0]  }
0x2: {  	s0 =	stileid.u32;
	s5 =	rddreg [dreg:$0x1];
	s19 =	simm.s32 $0x900  }
0x3: {  	s20 =	simm.s32 $0x1100;
	s21 =	simm.s32 $0x1900;
	s23 =	simm.s32 $0x2100  }
0x4: {  	s24 =	simm.s32 $0x2900;
	s25 =	simm.s32 $0x3100;
	s26 =	simm.s32 $0x3900  }
0x5: {  	s8 =	simm.s32 $0x4900;
	s9 =	simm.s32 $0x5100;
	s10 =	simm.s32 $0x5900  }
0x6: {  	s11 =	simm.s32 $0x6100;
	s12 =	simm.s32 $0x6900;
	s13 =	simm.s32 $0x7100  }
0x7: {  	s14 =	simm.s32 $0x7900;
	s15 =	simm.s32 $0x8100;
	s1 =	sand.u32 $0x1, s1  }
0x8: {  	s16 =	simm.s32 $0x8900;
	s3 =	sshll.u32 s0, $0x9;
	s4 =	sshll.u32 s1, $0x8  }
0x9: {  	s17 =	simm.s32 $0x9100;
	s4 =	sor.u32 s4, s3;
	s3 =	simm.s32 $0x0  }
0xa: {  	s18 =	simm.s32 $0x9900;
	s28 =	simm.s32 $0xE100;
	[smem:$0x7FF] =	sst s3  }
0xb: {  	s29 =	simm.s32 $0xE900;
	_ =	strace $0x80000047;
	[dreg:$0x5] =	wrdreg s19  }
0xc: {  	s30 =	simm.s32 $0xF100;
	s1 =	ssub.s32 $0x2, s1;
	[dreg:$0x6] =	wrdreg s20  }
0xd: {  	s31 =	simm.s32 $0xF900;
	s22 =	sshrl.u32 s1, $0x1;
	[dreg:$0x7] =	wrdreg s21  }
0xe: {  	s6 =	sshrl.u32 s4, $0x3;
	s4 =	sshll.u32 s4, $0x5;
	[dreg:$0x8] =	wrdreg s23  }
0xf: {  	s1 =	ssub.s32 s1, s22;
	s22 =	simm.s32 $0xB900;
	[dreg:$0x9] =	wrdreg s24  }
0x10: {  	s6 =	sadd.s32 s6, s2;
	s4 =	sadd.s32 s5, s4;
	[dreg:$0xa] =	wrdreg s25  }
0x11: {  	s5 =	simm.s32 $0x2;
	[dreg:$0xb] =	wrdreg s26;
	s19 =	simm.s32 $0xA100  }
0x12: {  	s20 =	simm.s32 $0xA900;
	s21 =	simm.s32 $0xB100;
	s23 =	simm.s32 $0xC100  }
0x13: {  	v2 =	vlaneseq.u32;
	s24 =	simm.s32 $0xC900;
	s25 =	simm.s32 $0xD100;
	s26 =	simm.s32 $0xD900  }
0x14: {  	vm0 =	vmmov $0xffff;
	v1 =	vshrl.u32 v2, $0x3;
	s6 =	sadd.s32 $0x40000, s6;
	[dreg:$0x4] =	wrdreg s4;
	s4 =	smax.u32 s1, $0x1  }
0x15: {  	v0 =	vand.u32 $0x7, v2;
	v2 =	vor.u32 $0x8, v2;
	v1 =	vmul.u32 $0x8, v1;
	s1 =	simm.s32 $0x1;
	[dreg:$0x3] =	wrdreg s6;
	s6 =	simm.s32 $0x100  }
.LBB2_1:
0x16: {  	s0 =	rddreg [dreg:$0x3]  }
0x17: {  	[tilespmem:s3], [sflag:$0x2] =	stream.linear.gather [hbm4b:s0+s3], $0x100, $0x38;
	[tilespmem:$0x10100] =	vst v63  }
0x18: {  	_ =	swait.ge [sflag:s5], $0x100  }
0x19: {  	[sflag:s5] =	ssyncset.done $0x0  }
0x1a: {  	[sflag:s5] =	ssyncadd.s32 $0xFFFFFF00  }
0x1b: {  	v3 =	vld [tilespmem:$0x0];
	_ =	sdelay $0x4  }
0x1c: {  	v4 =	vshll.u32 v3, $0x1  }
0x1d: {  	v3 =	vand.u32 $0x7, v3;
	v4 =	vand.u32 $0xFFFFFFF0, v4  }
0x1e: {  	v3 =	vor.u32 v3, v4  }
0x1f: {  	v4 =	vperm.xlane v3, v0;
	_ =	sdelay $0x1  }
0x20: {  	v3 =	vperm.xlane v3, v2;
	v4 =	vadd.s32 v1, v4;
	_ =	sdelay $0x1  }
0x21: {  	v3 =	vadd.s32 v1, v3;
	_ =	sdelay $0x2  }
0x22: {  	[tilespmem:s6], [sflag:$0x1] =	stream.indirect_vreg.gather [hbm4b:s2+s3], $0x80, v4, vm0, $0xb8;
	[tilespmem:$0x10100] =	vst v63  }
0x23: {  	s7 =	rddreg [dreg:$0x5]  }
0x24: {  	[tilespmem:s7], [sflag:$0x1] =	stream.indirect_vreg.gather [hbm4b:s2+s3], $0x80, v3, vm0, $0xb8;
	[tilespmem:$0x10100] =	vst v63  }
0x25: {  	v3 =	vld [tilespmem:$0x10];
	_ =	sdelay $0x4  }
0x26: {  	v49 =	vshll.u32 v3, $0x1  }
0x27: {  	v3 =	vand.u32 $0x7, v3;
	v4 =	vand.u32 $0xFFFFFFF0, v49  }
0x28: {  	v3 =	vor.u32 v3, v4  }
0x29: {  	v4 =	vperm.xlane v3, v0;
	_ =	sdelay $0x1  }
0x2a: {  	v3 =	vperm.xlane v3, v2;
	v4 =	vadd.s32 v1, v4;
	_ =	sdelay $0x1  }
0x2b: {  	v3 =	vadd.s32 v1, v3;
	_ =	sdelay $0x1  }
0x2c: {  	s0 =	rddreg [dreg:$0x6]  }
0x2d: {  	[tilespmem:s0], [sflag:$0x1] =	stream.indirect_vreg.gather [hbm4b:s2+s3], $0x80, v4, vm0, $0xb8;
	[tilespmem:$0x10100] =	vst v63  }
0x2e: {  	s7 =	rddreg [dreg:$0x7]  }
0x2f: {  	[tilespmem:s7], [sflag:$0x1] =	stream.indirect_vreg.gather [hbm4b:s2+s3], $0x80, v3, vm0, $0xb8;
	[tilespmem:$0x10100] =	vst v63  }
0x30: {  	v3 =	vld [tilespmem:$0x20];
	_ =	sdelay $0x4  }
0x31: {  	v50 =	vshll.u32 v3, $0x1  }
0x32: {  	v3 =	vand.u32 $0x7, v3;
	v4 =	vand.u32 $0xFFFFFFF0, v50  }
0x33: {  	v3 =	vor.u32 v3, v4  }
0x34: {  	v4 =	vperm.xlane v3, v0;
	_ =	sdelay $0x1  }
0x35: {  	v3 =	vperm.xlane v3, v2;
	v4 =	vadd.s32 v1, v4;
	_ =	sdelay $0x1  }
0x36: {  	v3 =	vadd.s32 v1, v3;
	_ =	sdelay $0x1  }
0x37: {  	s0 =	rddreg [dreg:$0x8]  }
0x38: {  	[tilespmem:s0], [sflag:$0x1] =	stream.indirect_vreg.gather [hbm4b:s2+s3], $0x80, v4, vm0, $0xb8;
	[tilespmem:$0x10100] =	vst v63  }
0x39: {  	s7 =	rddreg [dreg:$0x9]  }
0x3a: {  	[tilespmem:s7], [sflag:$0x1] =	stream.indirect_vreg.gather [hbm4b:s2+s3], $0x80, v3, vm0, $0xb8;
	[tilespmem:$0x10100] =	vst v63  }
0x3b: {  	v3 =	vld [tilespmem:$0x30];
	_ =	sdelay $0x4  }
0x3c: {  	v51 =	vshll.u32 v3, $0x1  }
0x3d: {  	v3 =	vand.u32 $0x7, v3;
	v4 =	vand.u32 $0xFFFFFFF0, v51  }
0x3e: {  	v3 =	vor.u32 v3, v4  }
0x3f: {  	v4 =	vperm.xlane v3, v0;
	_ =	sdelay $0x1  }
0x40: {  	v3 =	vperm.xlane v3, v2;
	v4 =	vadd.s32 v1, v4;
	_ =	sdelay $0x1  }
0x41: {  	v3 =	vadd.s32 v1, v3;
	_ =	sdelay $0x1  }
0x42: {  	s0 =	rddreg [dreg:$0xa]  }
0x43: {  	[tilespmem:s0], [sflag:$0x1] =	stream.indirect_vreg.gather [hbm4b:s2+s3], $0x80, v4, vm0, $0xb8;
	[tilespmem:$0x10100] =	vst v63  }
0x44: {  	s7 =	rddreg [dreg:$0xb]  }
0x45: {  	[tilespmem:s7], [sflag:$0x1] =	stream.indirect_vreg.gather [hbm4b:s2+s3], $0x80, v3, vm0, $0xb8;
	[tilespmem:$0x10100] =	vst v63  }
0x46: {  	v3 =	vld [tilespmem:$0x40];
	_ =	sdelay $0x4  }
0x47: {  	v52 =	vshll.u32 v3, $0x1  }
0x48: {  	v3 =	vand.u32 $0x7, v3;
	v4 =	vand.u32 $0xFFFFFFF0, v52  }
0x49: {  	v3 =	vor.u32 v3, v4  }
0x4a: {  	v4 =	vperm.xlane v3, v0;
	_ =	sdelay $0x1  }
0x4b: {  	v3 =	vperm.xlane v3, v2;
	v4 =	vadd.s32 v1, v4;
	_ =	sdelay $0x1  }
0x4c: {  	v3 =	vadd.s32 v1, v3;
	_ =	sdelay $0x1  }
0x4d: {  	s7 =	simm.s32 $0x4100  }
0x4e: {  	[tilespmem:s7], [sflag:$0x1] =	stream.indirect_vreg.gather [hbm4b:s2+s3], $0x80, v4, vm0, $0xb8;
	[tilespmem:$0x10100] =	vst v63  }
0x4f: {  	_ = 	snop  }
0x50: {  	[tilespmem:s8], [sflag:$0x1] =	stream.indirect_vreg.gather [hbm4b:s2+s3], $0x80, v3, vm0, $0xb8;
	[tilespmem:$0x10100] =	vst v63  }
0x51: {  	v3 =	vld [tilespmem:$0x50];
	_ =	sdelay $0x4  }
0x52: {  	v53 =	vshll.u32 v3, $0x1  }
0x53: {  	v3 =	vand.u32 $0x7, v3;
	v4 =	vand.u32 $0xFFFFFFF0, v53  }
0x54: {  	v3 =	vor.u32 v3, v4  }
0x55: {  	v4 =	vperm.xlane v3, v0;
	_ =	sdelay $0x1  }
0x56: {  	v3 =	vperm.xlane v3, v2;
	v4 =	vadd.s32 v1, v4;
	_ =	sdelay $0x1  }
0x57: {  	v3 =	vadd.s32 v1, v3;
	_ =	sdelay $0x2  }
0x58: {  	[tilespmem:s9], [sflag:$0x1] =	stream.indirect_vreg.gather [hbm4b:s2+s3], $0x80, v4, vm0, $0xb8;
	[tilespmem:$0x10100] =	vst v63  }
0x59: {  	_ = 	snop  }
0x5a: {  	[tilespmem:s10], [sflag:$0x1] =	stream.indirect_vreg.gather [hbm4b:s2+s3], $0x80, v3, vm0, $0xb8;
	[tilespmem:$0x10100] =	vst v63  }
0x5b: {  	v3 =	vld [tilespmem:$0x60];
	_ =	sdelay $0x4  }
0x5c: {  	v54 =	vshll.u32 v3, $0x1  }
0x5d: {  	v3 =	vand.u32 $0x7, v3;
	v4 =	vand.u32 $0xFFFFFFF0, v54  }
0x5e: {  	v3 =	vor.u32 v3, v4  }
0x5f: {  	v4 =	vperm.xlane v3, v0;
	_ =	sdelay $0x1  }
0x60: {  	v3 =	vperm.xlane v3, v2;
	v4 =	vadd.s32 v1, v4;
	_ =	sdelay $0x1  }
0x61: {  	v3 =	vadd.s32 v1, v3;
	_ =	sdelay $0x2  }
0x62: {  	[tilespmem:s11], [sflag:$0x1] =	stream.indirect_vreg.gather [hbm4b:s2+s3], $0x80, v4, vm0, $0xb8;
	[tilespmem:$0x10100] =	vst v63  }
0x63: {  	_ = 	snop  }
0x64: {  	[tilespmem:s12], [sflag:$0x1] =	stream.indirect_vreg.gather [hbm4b:s2+s3], $0x80, v3, vm0, $0xb8;
	[tilespmem:$0x10100] =	vst v63  }
0x65: {  	v3 =	vld [tilespmem:$0x70];
	_ =	sdelay $0x4  }
0x66: {  	v55 =	vshll.u32 v3, $0x1  }
0x67: {  	v3 =	vand.u32 $0x7, v3;
	v4 =	vand.u32 $0xFFFFFFF0, v55  }
0x68: {  	v3 =	vor.u32 v3, v4  }
0x69: {  	v4 =	vperm.xlane v3, v0;
	_ =	sdelay $0x1  }
0x6a: {  	v3 =	vperm.xlane v3, v2;
	v4 =	vadd.s32 v1, v4;
	_ =	sdelay $0x1  }
0x6b: {  	v3 =	vadd.s32 v1, v3;
	_ =	sdelay $0x2  }
0x6c: {  	[tilespmem:s13], [sflag:$0x1] =	stream.indirect_vreg.gather [hbm4b:s2+s3], $0x80, v4, vm0, $0xb8;
	[tilespmem:$0x10100] =	vst v63  }
0x6d: {  	_ = 	snop  }
0x6e: {  	[tilespmem:s14], [sflag:$0x1] =	stream.indirect_vreg.gather [hbm4b:s2+s3], $0x80, v3, vm0, $0xb8;
	[tilespmem:$0x10100] =	vst v63  }
0x6f: {  	v3 =	vld [tilespmem:$0x80];
	_ =	sdelay $0x4  }
0x70: {  	v56 =	vshll.u32 v3, $0x1  }
0x71: {  	v3 =	vand.u32 $0x7, v3;
	v4 =	vand.u32 $0xFFFFFFF0, v56  }
0x72: {  	v3 =	vor.u32 v3, v4  }
0x73: {  	v4 =	vperm.xlane v3, v0;
	_ =	sdelay $0x1  }
0x74: {  	v3 =	vperm.xlane v3, v2;
	v4 =	vadd.s32 v1, v4;
	_ =	sdelay $0x1  }
0x75: {  	v3 =	vadd.s32 v1, v3;
	_ =	sdelay $0x2  }
0x76: {  	[tilespmem:s15], [sflag:$0x1] =	stream.indirect_vreg.gather [hbm4b:s2+s3], $0x80, v4, vm0, $0xb8;
	[tilespmem:$0x10100] =	vst v63  }
0x77: {  	_ = 	snop  }
0x78: {  	[tilespmem:s16], [sflag:$0x1] =	stream.indirect_vreg.gather [hbm4b:s2+s3], $0x80, v3, vm0, $0xb8;
	[tilespmem:$0x10100] =	vst v63  }
0x79: {  	v3 =	vld [tilespmem:$0x90];
	_ =	sdelay $0x4  }
0x7a: {  	v57 =	vshll.u32 v3, $0x1  }
0x7b: {  	v3 =	vand.u32 $0x7, v3;
	v4 =	vand.u32 $0xFFFFFFF0, v57  }
0x7c: {  	v3 =	vor.u32 v3, v4  }
0x7d: {  	v4 =	vperm.xlane v3, v0;
	_ =	sdelay $0x1  }
0x7e: {  	v3 =	vperm.xlane v3, v2;
	v4 =	vadd.s32 v1, v4;
	_ =	sdelay $0x1  }
0x7f: {  	v3 =	vadd.s32 v1, v3;
	_ =	sdelay $0x2  }
0x80: {  	[tilespmem:s17], [sflag:$0x1] =	stream.indirect_vreg.gather [hbm4b:s2+s3], $0x80, v4, vm0, $0xb8;
	[tilespmem:$0x10100] =	vst v63  }
0x81: {  	_ = 	snop  }
0x82: {  	[tilespmem:s18], [sflag:$0x1] =	stream.indirect_vreg.gather [hbm4b:s2+s3], $0x80, v3, vm0, $0xb8;
	[tilespmem:$0x10100] =	vst v63  }
0x83: {  	v3 =	vld [tilespmem:$0xA0];
	_ =	sdelay $0x4  }
0x84: {  	v58 =	vshll.u32 v3, $0x1  }
0x85: {  	v3 =	vand.u32 $0x7, v3;
	v4 =	vand.u32 $0xFFFFFFF0, v58  }
0x86: {  	v3 =	vor.u32 v3, v4  }
0x87: {  	v4 =	vperm.xlane v3, v0;
	_ =	sdelay $0x1  }
0x88: {  	v3 =	vperm.xlane v3, v2;
	v4 =	vadd.s32 v1, v4;
	_ =	sdelay $0x1  }
0x89: {  	v3 =	vadd.s32 v1, v3;
	_ =	sdelay $0x2  }
0x8a: {  	[tilespmem:s19], [sflag:$0x1] =	stream.indirect_vreg.gather [hbm4b:s2+s3], $0x80, v4, vm0, $0xb8;
	[tilespmem:$0x10100] =	vst v63  }
0x8b: {  	_ = 	snop  }
0x8c: {  	[tilespmem:s20], [sflag:$0x1] =	stream.indirect_vreg.gather [hbm4b:s2+s3], $0x80, v3, vm0, $0xb8;
	[tilespmem:$0x10100] =	vst v63  }
0x8d: {  	v3 =	vld [tilespmem:$0xB0];
	_ =	sdelay $0x4  }
0x8e: {  	v59 =	vshll.u32 v3, $0x1  }
0x8f: {  	v3 =	vand.u32 $0x7, v3;
	v4 =	vand.u32 $0xFFFFFFF0, v59  }
0x90: {  	v3 =	vor.u32 v3, v4  }
0x91: {  	v4 =	vperm.xlane v3, v0;
	_ =	sdelay $0x1  }
0x92: {  	v3 =	vperm.xlane v3, v2;
	v4 =	vadd.s32 v1, v4;
	_ =	sdelay $0x1  }
0x93: {  	v3 =	vadd.s32 v1, v3;
	_ =	sdelay $0x2  }
0x94: {  	[tilespmem:s21], [sflag:$0x1] =	stream.indirect_vreg.gather [hbm4b:s2+s3], $0x80, v4, vm0, $0xb8;
	[tilespmem:$0x10100] =	vst v63  }
0x95: {  	_ = 	snop  }
0x96: {  	[tilespmem:s22], [sflag:$0x1] =	stream.indirect_vreg.gather [hbm4b:s2+s3], $0x80, v3, vm0, $0xb8;
	[tilespmem:$0x10100] =	vst v63  }
0x97: {  	v3 =	vld [tilespmem:$0xC0];
	_ =	sdelay $0x4  }
0x98: {  	v60 =	vshll.u32 v3, $0x1  }
0x99: {  	v3 =	vand.u32 $0x7, v3;
	v4 =	vand.u32 $0xFFFFFFF0, v60  }
0x9a: {  	v3 =	vor.u32 v3, v4  }
0x9b: {  	v4 =	vperm.xlane v3, v0;
	_ =	sdelay $0x1  }
0x9c: {  	v3 =	vperm.xlane v3, v2;
	v4 =	vadd.s32 v1, v4;
	_ =	sdelay $0x1  }
0x9d: {  	v3 =	vadd.s32 v1, v3;
	_ =	sdelay $0x2  }
0x9e: {  	[tilespmem:s23], [sflag:$0x1] =	stream.indirect_vreg.gather [hbm4b:s2+s3], $0x80, v4, vm0, $0xb8;
	[tilespmem:$0x10100] =	vst v63  }
0x9f: {  	_ = 	snop  }
0xa0: {  	[tilespmem:s24], [sflag:$0x1] =	stream.indirect_vreg.gather [hbm4b:s2+s3], $0x80, v3, vm0, $0xb8;
	[tilespmem:$0x10100] =	vst v63  }
0xa1: {  	v3 =	vld [tilespmem:$0xD0];
	_ =	sdelay $0x4  }
0xa2: {  	v61 =	vshll.u32 v3, $0x1  }
0xa3: {  	v3 =	vand.u32 $0x7, v3;
	v4 =	vand.u32 $0xFFFFFFF0, v61  }
0xa4: {  	v3 =	vor.u32 v3, v4  }
0xa5: {  	v4 =	vperm.xlane v3, v0;
	_ =	sdelay $0x1  }
0xa6: {  	v3 =	vperm.xlane v3, v2;
	v4 =	vadd.s32 v1, v4;
	_ =	sdelay $0x1  }
0xa7: {  	v3 =	vadd.s32 v1, v3;
	_ =	sdelay $0x2  }
0xa8: {  	[tilespmem:s25], [sflag:$0x1] =	stream.indirect_vreg.gather [hbm4b:s2+s3], $0x80, v4, vm0, $0xb8;
	[tilespmem:$0x10100] =	vst v63  }
0xa9: {  	_ = 	snop  }
0xaa: {  	[tilespmem:s26], [sflag:$0x1] =	stream.indirect_vreg.gather [hbm4b:s2+s3], $0x80, v3, vm0, $0xb8;
	[tilespmem:$0x10100] =	vst v63  }
0xab: {  	v3 =	vld [tilespmem:$0xE0];
	_ =	sdelay $0x4  }
0xac: {  	v62 =	vshll.u32 v3, $0x1  }
0xad: {  	v3 =	vand.u32 $0x7, v3;
	v4 =	vand.u32 $0xFFFFFFF0, v62  }
0xae: {  	v3 =	vor.u32 v3, v4  }
0xaf: {  	v4 =	vperm.xlane v3, v0;
	_ =	sdelay $0x1  }
0xb0: {  	v3 =	vperm.xlane v3, v2;
	v4 =	vadd.s32 v1, v4;
	_ =	sdelay $0x1  }
0xb1: {  	v3 =	vadd.s32 v1, v3;
	_ =	sdelay $0x2  }
0xb2: {  	[tilespmem:s28], [sflag:$0x1] =	stream.indirect_vreg.gather [hbm4b:s2+s3], $0x80, v4, vm0, $0xb8;
	[tilespmem:$0x10100] =	vst v63  }
0xb3: {  	_ = 	snop  }
0xb4: {  	[tilespmem:s29], [sflag:$0x1] =	stream.indirect_vreg.gather [hbm4b:s2+s3], $0x80, v3, vm0, $0xb8;
	[tilespmem:$0x10100] =	vst v63  }
0xb5: {  	v3 =	vld [tilespmem:$0xF0];
	_ =	sdelay $0x4  }
0xb6: {  	v63 =	vshll.u32 v3, $0x1  }
0xb7: {  	v3 =	vand.u32 $0x7, v3;
	v4 =	vand.u32 $0xFFFFFFF0, v63  }
0xb8: {  	v3 =	vor.u32 v3, v4  }
0xb9: {  	v4 =	vperm.xlane v3, v0;
	_ =	sdelay $0x1  }
0xba: {  	v3 =	vperm.xlane v3, v2;
	v4 =	vadd.s32 v1, v4;
	_ =	sdelay $0x1  }
0xbb: {  	v3 =	vadd.s32 v1, v3;
	_ =	sdelay $0x2  }
0xbc: {  	[tilespmem:s30], [sflag:$0x1] =	stream.indirect_vreg.gather [hbm4b:s2+s3], $0x80, v4, vm0, $0xb8;
	[tilespmem:$0x10100] =	vst v63  }
0xbd: {  	_ = 	snop  }
0xbe: {  	[tilespmem:s31], [sflag:$0x1] =	stream.indirect_vreg.gather [hbm4b:s2+s3], $0x80, v3, vm0, $0xb8;
	[tilespmem:$0x10100] =	vst v63  }
0xbf: {  	_ =	swait.ge [sflag:s1], $0x10000  }
0xc0: {  	p0 =	sne.s32 s4, $0x1;
	[sflag:s1] =	ssyncset.done $0x0  }
.Ltmp0:
0xc1: {  	s7 =	rddreg [dreg:$0x4];
	[sflag:s1] =	ssyncadd.s32 $0xFFFF0000;
	(pc) =	sbr.rel @p0 .LBB2_1-.Ltmp0, $4  }
0xc2: {  	[hbm4b:s7+s3] =	stream.linear.scatter [tilespmem:s6], [sflag:$0x2], $0x10000, $0x38;
	[tilespmem:$0x10100] =	vst v63  }
0xc3: {  	_ =	swait.ge [sflag:s5], $0x10000  }
0xc4: {  	[sflag:s5] =	ssyncset.done $0x0  }
0xc5: {  	s4 =	sadd.s32 $0xFFFFFFFF, s4;
	[sflag:s5] =	ssyncadd.s32 $0xFFFF0000  }
0xc6: {  	_ =	sfence.sel $0x180000  }
0xc7: {  	[bflag:$0x0] =	sbarrier.arrive $0xFFFF  }
0xc8: {  	_ =	strace $0x90000047  }
0xc9: {  	s0 =	stileid.u32;
	[bflag:$0x2] =	sbarrier.arrive $0xFFFF  }
0xca: {  	p0 =	sne.s32 s0, $0x0;
	s0 =	rddreg [dreg:$0x2]  }
0xcb: {  	s0 =	sadd.s32 @!p0 $0x100000, s0  }
0xcc: {  	[sflag:s0] =	ssyncadd.tile.s32 @!p0 $0x1;
	_ =	shalt  }
.Lfunc_end2:
_tile_overlayer_lowered:
.L_overlay_start_2:
0xcd: {  	(tag) =	ssettag $0x2  }
0xce: {  	s0 =	rddreg [dreg:$0x0];
	s2 =	stileid.u32  }
0xcf: {  	s1 =	rddreg [dreg:$0x1];
	p0 =	sne.s32 s2, $0x0  }
0xd0: {  	s3 =	rddreg [dreg:$0x2];
	[bflag:$0x3] =	sbarrier.arrive $0xFFFF;
	s2 =	simm.s32 @!p0 $0x1C02  }
0xd1: {  	[timem:s3], [sflag:s2] =	dma.local @!p0 [hbm:s0], s1  }
0xd2: {  	s0 =	simm.s32 @!p0 $0x2  }
0xd3: {  	_ =	swait.ge @!p0 [sflag:s0], s1  }
0xd4: {  	s1 =	ssub.s32 @!p0 $0x0, s1;
	[sflag:s0] =	ssyncset.done @!p0 $0x0  }
0xd5: {  	[sflag:s0] =	ssyncadd.s32 @!p0 s1  }
0xd6: {  	[bflag:$0x3] =	sbarrier.arrive $0xFFFF  }
0xd7: {  	_ =	shalt  }

</sc_bundles>
